<compile_context>
chip_gen: v7x
topology: tpu7x:2x2x1
jax: 0.10.2.dev20260603
libtpu: 0.0.44.dev20260713+nightly
codegen_flags: <defaults>
</compile_context>

<pallas_src>
import functools

import jax
import jax.numpy as jnp
from jax import lax
from jax.experimental import pallas as pl
from jax.experimental.pallas import tpu as pltpu
from jax.experimental.pallas import tpu_sc as plsc

B, C, T = 16, 512, 4096
ROWS = B * C
NC, NS = 2, 16
NW = NC * NS
RPW = ROWS // NW
G = 8
NCHUNK = RPW // G


def _sc_pool_call(xf):
    mesh = plsc.VectorSubcoreMesh(core_axis_name="c", subcore_axis_name="s")
    out_type = tuple(
        jax.ShapeDtypeStruct((ROWS, T >> k), jnp.float32) for k in (1, 2, 3, 4)
    )
    scratch = [
        pltpu.VMEM((G, T), jnp.float32),
        pltpu.VMEM((G, T >> 1), jnp.float32),
        pltpu.VMEM((G, T >> 2), jnp.float32),
        pltpu.VMEM((G, T >> 3), jnp.float32),
        pltpu.VMEM((G, T >> 4), jnp.float32),
    ]

    @functools.partial(
        pl.kernel,
        mesh=mesh,
        out_type=out_type,
        scratch_types=scratch,
        compiler_params=pltpu.CompilerParams(
            needs_layout_passes=False, use_tc_tiling_on_sc=False
        ),
    )
    def k(x_hbm, y1_hbm, y2_hbm, y3_hbm, y4_hbm, xv, y1v, y2v, y3v, y4v):
        wid = lax.axis_index("s") * NC + lax.axis_index("c")
        base = wid * RPW
        eidx = lax.iota(jnp.int32, 16) * 2

        def pool_row(src, dst, n_out):
            @plsc.parallel_loop(0, n_out // 16, unroll=8)
            def _(j):
                e = plsc.load_gather(src, [eidx + 32 * j])
                o = plsc.load_gather(src, [eidx + 32 * j + 1])
                dst[pl.ds(16 * j, 16)] = (e + o) * 0.5

        def chunk(c, _):
            r0 = base + c * G
            pltpu.sync_copy(x_hbm.at[pl.ds(r0, G)], xv)
            for g in range(0):
                pool_row(xv.at[g], y1v.at[g], T >> 1)
                pool_row(y1v.at[g], y2v.at[g], T >> 2)
                pool_row(y2v.at[g], y3v.at[g], T >> 3)
                pool_row(y3v.at[g], y4v.at[g], T >> 4)
            pltpu.sync_copy(y1v, y1_hbm.at[pl.ds(r0, G)])
            pltpu.sync_copy(y2v, y2_hbm.at[pl.ds(r0, G)])
            pltpu.sync_copy(y3v, y3_hbm.at[pl.ds(r0, G)])
            pltpu.sync_copy(y4v, y4_hbm.at[pl.ds(r0, G)])
            return 0

        lax.fori_loop(0, NCHUNK, chunk, 0)

    return k(xf)


def kernel(x, mask):
    xf = x.reshape(ROWS, T)
    y1, y2, y3, y4 = _sc_pool_call(xf)
    feats = (
        x,
        y1.reshape(B, C, T >> 1),
        y2.reshape(B, C, T >> 2),
        y3.reshape(B, C, T >> 3),
        y4.reshape(B, C, T >> 4),
    )
    masks = tuple(jnp.zeros((B, T >> k), dtype=bool) for k in range(5))
    return (feats, masks)

# --- scband reference (transcript-rebuilt; emitter-appended) ---
"""Pipeline reference for scband-resizer-backbone-85461259255934 (READ-ONLY COPY).

The authoritative reference and input builder live on the scoring server;
editing this copy changes nothing except your own understanding.
"""

import math
import jax, jax.numpy as jnp
import numpy as np

B, C, T = 16, 512, 4096
NUM_LEVELS = 5


def setup_inputs(seed: int = 0):
    key = jax.random.key(seed)
    x = jax.random.normal(key, (B, C, T), dtype=jnp.float32)
    mask = jnp.zeros((B, T), dtype=bool)
    return {"x": x, "mask": mask}


def _interp_linear(x, out_len):
    # 1D linear interpolation, align_corners=False (matches F.interpolate mode='linear')
    L = x.shape[-1]
    scale = L / out_len
    pos = (jnp.arange(out_len, dtype=jnp.float32) + 0.5) * scale - 0.5
    pos = jnp.clip(pos, 0.0, L - 1)
    lo = jnp.floor(pos).astype(jnp.int32)
    hi = jnp.minimum(lo + 1, L - 1)
    w = pos - lo.astype(jnp.float32)
    return jnp.take(x, lo, axis=-1) * (1.0 - w) + jnp.take(x, hi, axis=-1) * w


def _masked_resize(x, mask):
    Bb, Cc, Tt = x.shape
    out_T = int(math.floor(Tt * 0.5))
    mask_f = _interp_linear(mask.astype(jnp.float32)[:, None, :], out_T)[:, 0, :]
    mask_out = mask_f > 0.5
    valid_len = (~mask).sum(axis=-1)
    out_len = (~mask_out).sum(axis=-1)

    def _one(xi, vl, ol):
        vl_f = vl.astype(jnp.float32)
        ol_f = ol.astype(jnp.float32)
        scale = vl_f / jnp.maximum(ol_f, 1.0)
        pos = (jnp.arange(out_T, dtype=jnp.float32) + 0.5) * scale - 0.5
        pos = jnp.clip(pos, 0.0, vl_f - 1.0)
        lo = jnp.floor(pos).astype(jnp.int32)
        hi = jnp.minimum(lo + 1, vl - 1)
        w = pos - lo.astype(jnp.float32)
        oi = jnp.take(xi, lo, axis=-1) * (1.0 - w) + jnp.take(xi, hi, axis=-1) * w
        keep = (jnp.arange(out_T) < ol)[None, :]
        return oi * keep.astype(oi.dtype)

    out = jax.vmap(_one)(x, valid_len, out_len)
    return out, mask_out


def reference(x, mask):
    x = x * (~mask)[:, None, :].astype(x.dtype)
    feats = (x,)
    masks = (mask,)
    cur_x, cur_m = x, mask
    for _ in range(NUM_LEVELS - 1):
        cur_x, cur_m = _masked_resize(cur_x, cur_m)
        feats = feats + (cur_x,)
        masks = masks + (cur_m,)
    return (feats, masks)

if __name__ == "__main__":
    import jax
    _d = setup_inputs()
    print(jax.jit(kernel)(*tuple(_d.values())))

</pallas_src>

<mosaic_0001>
#map = affine_map<(d0, d1) -> (0, 0)>
module attributes {stable_mosaic.version = 14 : i64} {
  func.func @k(%arg0: i32, %arg1: i32, %arg2: memref<8192x4096xf32, #tpu.memory_space<hbm>>, %arg3: memref<8192x2048xf32, #tpu.memory_space<hbm>>, %arg4: memref<8192x1024xf32, #tpu.memory_space<hbm>>, %arg5: memref<8192x512xf32, #tpu.memory_space<hbm>>, %arg6: memref<8192x256xf32, #tpu.memory_space<hbm>>, %arg7: memref<8x4096xf32, #tpu.memory_space<vmem>>, %arg8: memref<8x2048xf32, #tpu.memory_space<vmem>>, %arg9: memref<8x1024xf32, #tpu.memory_space<vmem>>, %arg10: memref<8x512xf32, #tpu.memory_space<vmem>>, %arg11: memref<8x256xf32, #tpu.memory_space<vmem>>) attributes {dimension_semantics = [#tpu.dimension_semantics<core_parallel>, #tpu.dimension_semantics<subcore_parallel>], iteration_bounds = array<i64: 2, 16>, scalar_prefetch = 0 : i64, scratch_operands = 5 : i64, tpu.core_type = #tpu.core_type<sc_vector_subcore>, window_params = [{transform_indices = #map}, {transform_indices = #map}, {transform_indices = #map}, {transform_indices = #map}, {transform_indices = #map}]} {
    %mul3A = arith.constant 2 : i32
    %mul3A_0 = arith.muli %arg1, %mul3A : i32
    %add3A = arith.addi %mul3A_0, %arg0 : i32
    %mul3A_1 = arith.constant 256 : i32
    %mul3A_2 = arith.muli %add3A, %mul3A_1 : i32
    %iota3A = tpu.iota {dimensions = array<i32: 0>} : vector<16xi32>
    %mul3A_3 = arith.constant 2 : i32
    %mul3A_4 = vector.broadcast %mul3A_3 : i32 to vector<16xi32>
    %mul3A_5 = arith.muli %iota3A, %mul3A_4 : vector<16xi32>
    %scan3A = arith.constant 0 : i32
    %scan3A_6 = arith.constant 0 : i32
    %scan3A_7 = arith.constant 32 : i32
    %scan3A_8 = arith.addi %scan3A_6, %scan3A_7 : i32
    %scan3A_9 = arith.constant 1 : i32
    %scan3A_10 = scf.for %scan3A_12 = %scan3A_6 to %scan3A_8 step %scan3A_9 iter_args(%scan3A_13 = %scan3A) -> (i32)  : i32 {
      %mul3A_14 = arith.constant 8 : i32
      %mul3A_15 = arith.muli %scan3A_12, %mul3A_14 : i32
      %add3A_16 = arith.addi %mul3A_2, %mul3A_15 : i32
      "tpu.region"() ({
        %run_scoped3A = tpu.sem_alloc : memref<!tpu.dma_semaphore, #tpu.memory_space<semaphore_mem>>
        %dma_start3A = arith.constant 0 : i32
        %dma_start3A_18 = tpu.memref_slice %arg2[%add3A_16, %dma_start3A] : memref<8192x4096xf32, #tpu.memory_space<hbm>> -> memref<8x4096xf32, #tpu.memory_space<hbm>>
        %dma_start3A_19 = arith.constant 0 : i32
        %dma_start3A_20 = tpu.memref_slice %arg2[%add3A_16, %dma_start3A_19] : memref<8192x4096xf32, #tpu.memory_space<hbm>> -> memref<8x4096xf32, #tpu.memory_space<hbm>>
        tpu.enqueue_dma source(%dma_start3A_20 : memref<8x4096xf32, #tpu.memory_space<hbm>>) target(%arg7 : memref<8x4096xf32, #tpu.memory_space<vmem>>) target_semaphore(%run_scoped3A : memref<!tpu.dma_semaphore, #tpu.memory_space<semaphore_mem>>)
        %dma_wait3A = arith.constant 0 : i32
        %dma_wait3A_21 = tpu.memref_slice %arg2[%add3A_16, %dma_wait3A] : memref<8192x4096xf32, #tpu.memory_space<hbm>> -> memref<8x4096xf32, #tpu.memory_space<hbm>>
        %dma_wait3A_22 = arith.constant 0 : i32
        %dma_wait3A_23 = tpu.memref_slice %arg2[%add3A_16, %dma_wait3A_22] : memref<8192x4096xf32, #tpu.memory_space<hbm>> -> memref<8x4096xf32, #tpu.memory_space<hbm>>
        tpu.wait_dma2 semaphore(%run_scoped3A : memref<!tpu.dma_semaphore, #tpu.memory_space<semaphore_mem>>) src(%dma_wait3A_23 : memref<8x4096xf32, #tpu.memory_space<hbm>>) dst(%arg7 : memref<8x4096xf32, #tpu.memory_space<vmem>>)
        tpu.yield
      }) : () -> ()
      "tpu.region"() ({
        %run_scoped3A = tpu.sem_alloc : memref<!tpu.dma_semaphore, #tpu.memory_space<semaphore_mem>>
        %dma_start3A = arith.constant 0 : i32
        %dma_start3A_18 = tpu.memref_slice %arg3[%add3A_16, %dma_start3A] : memref<8192x2048xf32, #tpu.memory_space<hbm>> -> memref<8x2048xf32, #tpu.memory_space<hbm>>
        %dma_start3A_19 = arith.constant 0 : i32
        %dma_start3A_20 = tpu.memref_slice %arg3[%add3A_16, %dma_start3A_19] : memref<8192x2048xf32, #tpu.memory_space<hbm>> -> memref<8x2048xf32, #tpu.memory_space<hbm>>
        tpu.enqueue_dma source(%arg8 : memref<8x2048xf32, #tpu.memory_space<vmem>>) target(%dma_start3A_20 : memref<8x2048xf32, #tpu.memory_space<hbm>>) target_semaphore(%run_scoped3A : memref<!tpu.dma_semaphore, #tpu.memory_space<semaphore_mem>>)
        %dma_wait3A = arith.constant 0 : i32
        %dma_wait3A_21 = tpu.memref_slice %arg3[%add3A_16, %dma_wait3A] : memref<8192x2048xf32, #tpu.memory_space<hbm>> -> memref<8x2048xf32, #tpu.memory_space<hbm>>
        %dma_wait3A_22 = arith.constant 0 : i32
        %dma_wait3A_23 = tpu.memref_slice %arg3[%add3A_16, %dma_wait3A_22] : memref<8192x2048xf32, #tpu.memory_space<hbm>> -> memref<8x2048xf32, #tpu.memory_space<hbm>>
        tpu.wait_dma2 semaphore(%run_scoped3A : memref<!tpu.dma_semaphore, #tpu.memory_space<semaphore_mem>>) src(%arg8 : memref<8x2048xf32, #tpu.memory_space<vmem>>) dst(%dma_wait3A_23 : memref<8x2048xf32, #tpu.memory_space<hbm>>)
        tpu.yield
      }) : () -> ()
      "tpu.region"() ({
        %run_scoped3A = tpu.sem_alloc : memref<!tpu.dma_semaphore, #tpu.memory_space<semaphore_mem>>
        %dma_start3A = arith.constant 0 : i32
        %dma_start3A_18 = tpu.memref_slice %arg4[%add3A_16, %dma_start3A] : memref<8192x1024xf32, #tpu.memory_space<hbm>> -> memref<8x1024xf32, #tpu.memory_space<hbm>>
        %dma_start3A_19 = arith.constant 0 : i32
        %dma_start3A_20 = tpu.memref_slice %arg4[%add3A_16, %dma_start3A_19] : memref<8192x1024xf32, #tpu.memory_space<hbm>> -> memref<8x1024xf32, #tpu.memory_space<hbm>>
        tpu.enqueue_dma source(%arg9 : memref<8x1024xf32, #tpu.memory_space<vmem>>) target(%dma_start3A_20 : memref<8x1024xf32, #tpu.memory_space<hbm>>) target_semaphore(%run_scoped3A : memref<!tpu.dma_semaphore, #tpu.memory_space<semaphore_mem>>)
        %dma_wait3A = arith.constant 0 : i32
        %dma_wait3A_21 = tpu.memref_slice %arg4[%add3A_16, %dma_wait3A] : memref<8192x1024xf32, #tpu.memory_space<hbm>> -> memref<8x1024xf32, #tpu.memory_space<hbm>>
        %dma_wait3A_22 = arith.constant 0 : i32
        %dma_wait3A_23 = tpu.memref_slice %arg4[%add3A_16, %dma_wait3A_22] : memref<8192x1024xf32, #tpu.memory_space<hbm>> -> memref<8x1024xf32, #tpu.memory_space<hbm>>
        tpu.wait_dma2 semaphore(%run_scoped3A : memref<!tpu.dma_semaphore, #tpu.memory_space<semaphore_mem>>) src(%arg9 : memref<8x1024xf32, #tpu.memory_space<vmem>>) dst(%dma_wait3A_23 : memref<8x1024xf32, #tpu.memory_space<hbm>>)
        tpu.yield
      }) : () -> ()
      "tpu.region"() ({
        %run_scoped3A = tpu.sem_alloc : memref<!tpu.dma_semaphore, #tpu.memory_space<semaphore_mem>>
        %dma_start3A = arith.constant 0 : i32
        %dma_start3A_18 = tpu.memref_slice %arg5[%add3A_16, %dma_start3A] : memref<8192x512xf32, #tpu.memory_space<hbm>> -> memref<8x512xf32, #tpu.memory_space<hbm>>
        %dma_start3A_19 = arith.constant 0 : i32
        %dma_start3A_20 = tpu.memref_slice %arg5[%add3A_16, %dma_start3A_19] : memref<8192x512xf32, #tpu.memory_space<hbm>> -> memref<8x512xf32, #tpu.memory_space<hbm>>
        tpu.enqueue_dma source(%arg10 : memref<8x512xf32, #tpu.memory_space<vmem>>) target(%dma_start3A_20 : memref<8x512xf32, #tpu.memory_space<hbm>>) target_semaphore(%run_scoped3A : memref<!tpu.dma_semaphore, #tpu.memory_space<semaphore_mem>>)
        %dma_wait3A = arith.constant 0 : i32
        %dma_wait3A_21 = tpu.memref_slice %arg5[%add3A_16, %dma_wait3A] : memref<8192x512xf32, #tpu.memory_space<hbm>> -> memref<8x512xf32, #tpu.memory_space<hbm>>
        %dma_wait3A_22 = arith.constant 0 : i32
        %dma_wait3A_23 = tpu.memref_slice %arg5[%add3A_16, %dma_wait3A_22] : memref<8192x512xf32, #tpu.memory_space<hbm>> -> memref<8x512xf32, #tpu.memory_space<hbm>>
        tpu.wait_dma2 semaphore(%run_scoped3A : memref<!tpu.dma_semaphore, #tpu.memory_space<semaphore_mem>>) src(%arg10 : memref<8x512xf32, #tpu.memory_space<vmem>>) dst(%dma_wait3A_23 : memref<8x512xf32, #tpu.memory_space<hbm>>)
        tpu.yield
      }) : () -> ()
      "tpu.region"() ({
        %run_scoped3A = tpu.sem_alloc : memref<!tpu.dma_semaphore, #tpu.memory_space<semaphore_mem>>
        %dma_start3A = arith.constant 0 : i32
        %dma_start3A_18 = tpu.memref_slice %arg6[%add3A_16, %dma_start3A] : memref<8192x256xf32, #tpu.memory_space<hbm>> -> memref<8x256xf32, #tpu.memory_space<hbm>>
        %dma_start3A_19 = arith.constant 0 : i32
        %dma_start3A_20 = tpu.memref_slice %arg6[%add3A_16, %dma_start3A_19] : memref<8192x256xf32, #tpu.memory_space<hbm>> -> memref<8x256xf32, #tpu.memory_space<hbm>>
        tpu.enqueue_dma source(%arg11 : memref<8x256xf32, #tpu.memory_space<vmem>>) target(%dma_start3A_20 : memref<8x256xf32, #tpu.memory_space<hbm>>) target_semaphore(%run_scoped3A : memref<!tpu.dma_semaphore, #tpu.memory_space<semaphore_mem>>)
        %dma_wait3A = arith.constant 0 : i32
        %dma_wait3A_21 = tpu.memref_slice %arg6[%add3A_16, %dma_wait3A] : memref<8192x256xf32, #tpu.memory_space<hbm>> -> memref<8x256xf32, #tpu.memory_space<hbm>>
        %dma_wait3A_22 = arith.constant 0 : i32
        %dma_wait3A_23 = tpu.memref_slice %arg6[%add3A_16, %dma_wait3A_22] : memref<8192x256xf32, #tpu.memory_space<hbm>> -> memref<8x256xf32, #tpu.memory_space<hbm>>
        tpu.wait_dma2 semaphore(%run_scoped3A : memref<!tpu.dma_semaphore, #tpu.memory_space<semaphore_mem>>) src(%arg11 : memref<8x256xf32, #tpu.memory_space<vmem>>) dst(%dma_wait3A_23 : memref<8x256xf32, #tpu.memory_space<hbm>>)
        tpu.yield
      }) : () -> ()
      %scan3A_17 = arith.constant 0 : i32
      scf.yield %scan3A_17 : i32
    }
    %scan3A_11 = arith.constant 32 : i32
    return
  }
}

</mosaic_0001>

<sc_bundles>
// kernel: kernel.3.cloned.1.call-start
scs
__scs_entry_jumppad:
0x0: {  	(pc) =	sbr.rel $0x88, $3  }
0x1: {  	(tag) =	ssettag $0x0;
	lr =	simm.s32 $0x1  }
0x2: {  	[smem:$0x3FA0] =	sst lr;
	_ =	strace $0xD0000000  }
0x3: {  	_ = 	snop  }
0x4: {  	_ = 	snop  }
0x5: {  	_ = 	snop  }
0x6: {  	_ = 	snop  }
0x7: {  	_ = 	snop  }
__scs_overlays_trampoline_lowered:
0x8: {  	[smem:$0x3FAF] =	sst s0  }
0x9: {  	[smem:$0x3FB0] =	sst s1  }
0xa: {  	[smem:$0x3FB1] =	sst s2  }
0xb: {  	[smem:$0x3FB2] =	sst s3  }
0xc: {  	[smem:$0x3FB3] =	sst s4  }
0xd: {  	[smem:$0x3FB4] =	sst s5  }
0xe: {  	[smem:$0x3FB5] =	sst s6  }
0xf: {  	[smem:$0x3FB6] =	sst s7  }
0x10: {  	[smem:$0x3FB7] =	sst s8  }
0x11: {  	[smem:$0x3FB8] =	sst s9;
	s0 =	simm.s32 @!p0 $0x0  }
0x12: {  	s1 =	sld [smem:$0x3F9E];
	s0 =	simm.s32 @p0 $0x1  }
0x13: {  	[smem:$0x3FB9] =	sst s0;
	s0 =	simm.s32 @!p1 $0x0  }
0x14: {  	s2 =	sld [smem:$0x3F9D];
	s0 =	simm.s32 @p1 $0x1  }
0x15: {  	[smem:$0x3FBA] =	sst s0;
	s0 =	simm.s32 @!p2 $0x0  }
0x16: {  	s3 =	sld [smem:$0x3FDB];
	s0 =	simm.s32 @p2 $0x1  }
0x17: {  	s4 =	simm.s32 $0x1BF5;
	[smem:$0x3FBC] =	sst s0  }
0x18: {  	s0 =	sld [smem:$0x3F9F];
	_ =	swait.ge [sflag:s4], $0x0  }
0x19: {  	s7 =	sld [smem:$0x3FA0]  }
0x1a: {  	s8 =	sadd.s32 $0xFFFFE003, lr  }
0x1b: {  	s9 =	sadd.s32 $0xFFFFFEF7, lr;
	s5 =	simm.s32 $0xFFFFFFFF;
	p2 =	slt.u32 s8, $0xFFFFF086  }
0x1c: {  	p1 =	slt.u32 s9, $0xF7A;
	s5 =	simm.s32 @!p2 $0x0  }
0x1d: {  	s5 =	simm.s32 @p1 $0x1;
	p0 =	seq.s32 s7, s2  }
0x1e: {  	s7 =	smul.u32 @!p0 $0xF7A, s2;
	p2 =	seq.s32 @!p0 s5, $0x0  }
0x1f: {  	s9 =	smul.u32 $0xF7A, s1;
	s8 =	simm.s32 @!p0 $0x1BF5;
	p2 =	por !p2, p0  }
0x20: {  	[sflag:s8] =	ssyncset.s32 @!p0 $0xFFFFF086;
	s6 =	sadd.s32 @!p0 s3, s7;
	s7 =	simm.s32 @!p0 $0x108  }
0x21: {  	s3 =	sadd.s32 s3, s9;
	s6 =	sadd.s32 @!p0 $0x88, s6;
	s7 =	simm.s32 @p2 $0x1082  }
0x22: {  	[simem:s7], [sflag:s8] =	dma.local @!p0 [hbm:s6], $0xF7A  }
0x23: {  	s9 =	sor.u32 $0xD0000000, s2;
	s6 =	simm.s32 $0x108;
	_ =	swait.ge @!p0 [sflag:s8], $0x0  }
0x24: {  	s3 =	sadd.s32 $0x88, s3;
	s6 =	simm.s32 @!p1 $0x1082;
	[sflag:s4] =	ssyncset.s32 $0xFFFFF086  }
0x25: {  	[simem:s6], [sflag:s4] =	dma.local [hbm:s3], $0xF7A  }
0x26: {  	[smem:$0x3FA0] =	sst s1;
	(tag) =	ssettag s2;
	_ =	strace s9  }
0x27: {  	s1 =	sld [smem:$0x3FB0]  }
0x28: {  	s2 =	sld [smem:$0x3FB1]  }
0x29: {  	s4 =	sld [smem:$0x3FB3]  }
0x2a: {  	p0 =	seq.s32 s5, $0x0;
	s5 =	sld [smem:$0x3FB4]  }
0x2b: {  	s6 =	sld [smem:$0x3FB5]  }
0x2c: {  	s7 =	sld [smem:$0x3FB6]  }
0x2d: {  	s3 =	simm.s32 $0x108;
	s8 =	sld [smem:$0x3FB7]  }
0x2e: {  	s3 =	simm.s32 @!p0 $0x1082;
	s9 =	sld [smem:$0x3FB8]  }
0x2f: {  	lr =	sadd.s32 s0, s3;
	s0 =	sld [smem:$0x3FAF]  }
0x30: {  	s3 =	sld [smem:$0x3FB2]  }
0x31: {  	[smem:$0x3FBB] =	sst s10  }
0x32: {  	s10 =	sld [smem:$0x3FB9];
	_ =	sdelay $0x3  }
0x33: {  	p0 =	seq.s32 s10, $0x1;
	s10 =	sld [smem:$0x3FBB];
	_ =	sdelay $0x3  }
0x34: {  	[smem:$0x3FBB] =	sst s10  }
0x35: {  	s10 =	sld [smem:$0x3FBA];
	_ =	sdelay $0x3  }
0x36: {  	p1 =	seq.s32 s10, $0x1;
	s10 =	sld [smem:$0x3FBB];
	_ =	sdelay $0x3  }
0x37: {  	[smem:$0x3FBB] =	sst s10  }
0x38: {  	s10 =	sld [smem:$0x3FBC]  }
0x39: {  	_ = 	snop;
	(pc) =	sbr.ind lr, $3  }
0x3a: {  	_ = 	snop  }
0x3b: {  	_ = 	snop  }
0x3c: {  	p2 =	seq.s32 s10, $0x1;
	s10 =	sld [smem:$0x3FBB]  }
0x3d: {  	_ =	shalt  }
0x3e: {  	_ =	shalt  }
0x3f: {  	_ =	shalt  }
0x40: {  	_ =	shalt  }
0x41: {  	_ =	shalt  }
0x42: {  	_ =	shalt  }
0x43: {  	_ =	shalt  }
0x44: {  	_ =	shalt  }
0x45: {  	_ =	shalt  }
0x46: {  	_ =	shalt  }
0x47: {  	_ =	shalt  }
0x48: {  	_ =	shalt  }
0x49: {  	_ =	shalt  }
0x4a: {  	_ =	shalt  }
0x4b: {  	_ =	shalt  }
0x4c: {  	_ =	shalt  }
0x4d: {  	_ =	shalt  }
0x4e: {  	_ =	shalt  }
0x4f: {  	_ =	shalt  }
0x50: {  	_ =	shalt  }
0x51: {  	_ =	shalt  }
0x52: {  	_ =	shalt  }
0x53: {  	_ =	shalt  }
0x54: {  	_ =	shalt  }
0x55: {  	_ =	shalt  }
0x56: {  	_ =	shalt  }
0x57: {  	_ =	shalt  }
0x58: {  	_ =	shalt  }
0x59: {  	_ =	shalt  }
0x5a: {  	_ =	shalt  }
0x5b: {  	_ =	shalt  }
0x5c: {  	_ =	shalt  }
0x5d: {  	_ =	shalt  }
0x5e: {  	_ =	shalt  }
0x5f: {  	_ =	shalt  }
0x60: {  	_ =	shalt  }
0x61: {  	_ =	shalt  }
0x62: {  	_ =	shalt  }
0x63: {  	_ =	shalt  }
0x64: {  	_ =	shalt  }
0x65: {  	_ =	shalt  }
0x66: {  	_ =	shalt  }
0x67: {  	_ =	shalt  }
0x68: {  	_ =	shalt  }
0x69: {  	_ =	shalt  }
0x6a: {  	_ =	shalt  }
0x6b: {  	_ =	shalt  }
0x6c: {  	_ =	shalt  }
0x6d: {  	_ =	shalt  }
0x6e: {  	_ =	shalt  }
0x6f: {  	_ =	shalt  }
0x70: {  	_ =	shalt  }
0x71: {  	_ =	shalt  }
0x72: {  	_ =	shalt  }
0x73: {  	_ =	shalt  }
0x74: {  	_ =	shalt  }
0x75: {  	_ =	shalt  }
0x76: {  	_ =	shalt  }
0x77: {  	_ =	shalt  }
0x78: {  	_ =	shalt  }
0x79: {  	_ =	shalt  }
0x7a: {  	_ =	shalt  }
0x7b: {  	_ =	shalt  }
0x7c: {  	_ =	shalt  }
0x7d: {  	_ =	shalt  }
0x7e: {  	_ =	shalt  }
0x7f: {  	_ =	shalt  }
0x80: {  	_ =	shalt  }
0x81: {  	_ =	shalt  }
0x82: {  	_ =	shalt  }
0x83: {  	_ =	shalt  }
0x84: {  	_ =	shalt  }
0x85: {  	_ =	shalt  }
0x86: {  	_ =	shalt  }
0x87: {  	_ =	shalt  }
.Lfunc_end0:
.L_simem_size_0:
called_computation.1_lowered:
.L_overlay_start_0:
0x88: {  	s2 =	sld [smem:$0x3FD9]  }
0x89: {  	s3 =	sld [smem:$0x3FFE];
	_ =	sdelay $0x1  }
0x8a: {  	s1 =	srdreg.scid  }
0x8b: {  	s0 =	sand.u32 $0x1, s1  }
0x8c: {  	s14 =	sshll.u32 s0, $0xA;
	s2 =	sadd.s32 s3, s2  }
0x8d: {  	s2 =	sadd.s32 s2, s14  }
0x8e: {  	[smem:$0x3FC7] =	sst s2  }
0x8f: {  	_ = 	snop  }
0x90: {  	s2 =	sld [smem:$0x3FD0];
	_ =	sdelay $0x2  }
0x91: {  	s15 =	simm.s32 $0xA;
	s4 =	simm.s32 $0x10  }
0x92: {  	[smem:s4], [sflag:s15] =	dma.local [hbm:s2], $0x1  }
0x93: {  	_ =	swait.eq [sflag:s15], $0x1  }
0x94: {  	s16 =	sld [smem:$0x10];
	[sflag:s15] =	ssyncset.done $0x0  }
0x95: {  	s17 =	sld [smem:$0x13];
	[sflag:s15] =	ssyncadd.s32 $0xFFFFFFFF  }
0x96: {  	s18 =	sld [smem:$0x14];
	(tm) =	ssettm $0x1  }
0x97: {  	s5 =	sld [smem:$0x3FFB];
	_ =	sdelay $0x3  }
0x98: {  	_ =	strace s5  }
0x99: {  	s5 =	sld [smem:$0x3FFC];
	_ =	sdelay $0x3  }
0x9a: {  	_ =	strace s5  }
0x9b: {  	s5 =	sld [smem:$0x3FFD];
	_ =	sdelay $0x3  }
0x9c: {  	_ =	strace s5  }
0x9d: {  	_ =	strace $0x8FFFFFFF  }
0x9e: {  	s19 =	sld [smem:$0x3FDB];
	_ =	sdelay $0x1  }
0x9f: {  	s6 =	simm.s32 $_scs_section_size  }
0xa0: {  	s7 =	simm.s32 $_size__tile_overlayer_lowered;
	s8 =	simm.s32 $_tile_overlayer_lowered  }
0xa1: {  	s22 =	simm.s32 $0x1BFF;
	s21 =	sshll.u32 s8, $0x1;
	s5 =	sadd.s32 s6, s19  }
0xa2: {  	s9 =	simm.s32 $0x0;
	s20 =	sshll.u32 s7, $0x1;
	s7 =	sadd.s32 s21, s5  }
0xa3: {  	[timem:s9], [sflag:s22] =	dma.local [hbm:s7], s20  }
0xa4: {  	_ =	swait.ge [sflag:s22], s20  }
0xa5: {  	s6 =	ssub.s32 $0x0, s20;
	[sflag:s22] =	ssyncset.done $0x0  }
0xa6: {  	[sflag:s22] =	ssyncadd.s32 s6;
	_ =	sdelay $0x1  }
0xa7: {  	s23 =	simm.s32 $0x1B8B  }
0xa8: {  	_ =	swait.ge [sflag:s23], $0x1  }
0xa9: {  	[sflag:s23] =	ssyncset.done $0x0  }
0xaa: {  	s25 =	simm.s32 $0x1B8E;
	s24 =	sld [smem:$0x3FFE];
	[sflag:s23] =	ssyncadd.s32 $0xFFFFFFFF  }
0xab: {  	s26 =	simm.s32 $execute0_lowered;
	[smem:$0x3FD2] =	sst s25  }
0xac: {  	s7 =	sshll.u32 s26, $0x1;
	_ =	strace $0x80000049;
	[dreg:$0x1] =	wrdreg $0xFFFFFFFF  }
0xad: {  	s28 =	simm.s32 $_size_execute0_lowered;
	s5 =	sadd.s32 s5, s7;
	[dreg:$0x0] =	wrdreg $0x0  }
0xae: {  	s7 =	sshll.u32 s28, $0x1;
	[dreg:$0x2] =	wrdreg s5  }
0xaf: {  	[dreg:$0x3] =	wrdreg s7  }
0xb0: {  	[dreg:$0x4] =	wrdreg $0xC0  }
0xb1: {  	_ =	task [dreg:s9], $0x5FFFF  }
0xb2: {  	[dreg:$0x1] =	wrdreg $0xFFFFFFFF  }
0xb3: {  	[dreg:$0x0] =	wrdreg $0x60  }
0xb4: {  	[dreg:$0x2] =	wrdreg s16  }
0xb5: {  	[dreg:$0x3] =	wrdreg s24  }
0xb6: {  	[dreg:$0x4] =	wrdreg s17  }
0xb7: {  	[dreg:$0x5] =	wrdreg s18  }
0xb8: {  	[dreg:$0x6] =	wrdreg $0x9  }
0xb9: {  	_ =	task.clear_ibuf [dreg:s9], $0x7FFFF;
	_ =	strace $0x90000049  }
0xba: {  	s29 =	simm.s32 $0x9;
	_ =	strace $0x8000004B  }
0xbb: {  	_ =	swait.ge [sflag:s29], $0x1  }
0xbc: {  	[sflag:s29] =	ssyncadd.s32 $0xFFFFFFFF  }
0xbd: {  	_ =	strace $0x9000004B  }
0xbe: {  	_ =	sfence  }
0xbf: {  	s30 =	sld [smem:$0x0];
	_ =	sdelay $0x2  }
0xc0: {  	s31 =	sshll.u32 s1, $0xD;
	s1 =	sshrl.u32 s1, $0x2  }
0xc1: {  	s3 =	sand.u32 $0x4000, s31;
	s1 =	sadd.s32 s1, s30  }
0xc2: {  	s0 =	sor.u32 s3, s0;
	s1 =	sshll.u32 s1, $0x11  }
0xc3: {  	s0 =	sor.u32 s1, s0  }
0xc4: {  	s0 =	sadd.s32 $0x8F2B, s0  }
0xc5: {  	[sflag:s0] =	ssyncadd.remote.s32 $0x1  }
0xc6: {  	_ =	sfence.sel $0xFFFF  }
0xc7: {  	[dreg:$0x0] =	wrdreg $0xFFFFFFFF;
	(pc) =	sbr.abs _section_cstart, $3  }
0xc8: {  	[dreg:$0x1] =	wrdreg $0xFFFFFFFF  }
0xc9: {  	_ =	task.clear_ibuf [dreg:s9], $0x2FFFF;
	_ =	strace $0x9FFFFFFF  }
0xca: {  	(tm) =	ssettm $0x7FFFFFFF  }
0xcb: {  	_ =	shalt  }
tec
execute0_lowered:
.L_overlay_start_1:
0x0: {  	(tag) =	ssettag $0x1  }
0x1: {  	s6 =	rddreg [dreg:$0x0]  }
0x2: {  	s3 =	rddreg [dreg:$0x1]  }
0x3: {  	s4 =	rddreg [dreg:$0x2]  }
0x4: {  	s5 =	rddreg [dreg:$0x3]  }
0x5: {  	s0 =	rddreg [dreg:$0x4];
	s2 =	simm.s32 $0x0;
	s7 =	srdreg.scid  }
0x6: {  	s1 =	stileid.u32;
	s13 =	simm.s32 $0xF000;
	s14 =	simm.s32 $0x0  }
0x7: {  	[smem:$0x7FF] =	sst s2;
	s7 =	sand.u32 $0x1, s7;
	s8 =	sshll.u32 s1, $0x11  }
0x8: {  	s10 =	sshll.u32 s1, $0x10;
	s23 =	sshll.u32 s1, $0xE;
	s24 =	sshll.u32 s1, $0xF  }
0x9: {  	s29 =	sshll.u32 s1, $0x12;
	_ =	strace $0x8000004A;
	s9 =	ssub.s32 $0x2, s7  }
0xa: {  	s8 =	sadd.s32 s8, s3;
	s10 =	sadd.s32 s10, s3;
	s5 =	sadd.s32 s23, s5  }
0xb: {  	s25 =	sshll.u32 s7, $0xD;
	s12 =	sshll.u32 s7, $0xE;
	s26 =	sshll.u32 s7, $0xF  }
0xc: {  	s28 =	sshll.u32 s7, $0x10;
	s30 =	sadd.s32 s29, s6;
	s11 =	sshrl.u32 s9, $0x1  }
0xd: {  	s31 =	sshll.u32 s7, $0x11;
	s8 =	sadd.s32 s28, s8;
	s22 =	ssub.s32 s9, s11  }
0xe: {  	s9 =	sadd.s32 s24, s4;
	s4 =	sadd.s32 s25, s5;
	s7 =	sadd.s32 $0x1000, s8  }
0xf: {  	s8 =	sadd.s32 s31, s30;
	s11 =	simm.s32 $0xC000;
	s3 =	smax.u32 s22, $0x1  }
0x10: {  	s5 =	sadd.s32 s12, s9;
	s9 =	sadd.s32 s26, s10;
	s10 =	simm.s32 $0x8000  }
0x11: {  	s12 =	simm.s32 $0xE000;
	s6 =	sadd.s32 $0x201000, s9;
	s9 =	simm.s32 $0x1  }
.LBB2_1:
0x12: {  	[tilespmem:s2], [sflag:$0x1] =	stream.linear.gather [hbm4b:s8+s2], $0x8000, $0x38;
	[tilespmem:$0xF800] =	vst v63  }
0x13: {  	_ =	swait.ge [sflag:s9], $0x8000  }
0x14: {  	[sflag:s9] =	ssyncset.done $0x0  }
0x15: {  	[sflag:s9] =	ssyncadd.s32 $0xFFFF8000  }
0x16: {  	[hbm4b:s7+s2] =	stream.linear.scatter [tilespmem:s10], [sflag:$0x1], $0x4000, $0x38;
	[tilespmem:$0xF800] =	vst v63  }
0x17: {  	_ =	swait.ge [sflag:s9], $0x4000  }
0x18: {  	[sflag:s9] =	ssyncset.done $0x0  }
0x19: {  	[sflag:s9] =	ssyncadd.s32 $0xFFFFC000  }
0x1a: {  	[hbm4b:s6+s2] =	stream.linear.scatter [tilespmem:s11], [sflag:$0x1], $0x2000, $0x38;
	[tilespmem:$0xF800] =	vst v63  }
0x1b: {  	_ =	swait.ge [sflag:s9], $0x2000  }
0x1c: {  	[sflag:s9] =	ssyncset.done $0x0  }
0x1d: {  	[sflag:s9] =	ssyncadd.s32 $0xFFFFE000  }
0x1e: {  	[hbm4b:s5+s2] =	stream.linear.scatter [tilespmem:s12], [sflag:$0x1], $0x1000, $0x38;
	[tilespmem:$0xF800] =	vst v63  }
0x1f: {  	_ =	swait.ge [sflag:s9], $0x1000  }
0x20: {  	[sflag:s9] =	ssyncset.done $0x0  }
0x21: {  	s15 =	sadd.s32 $0x0, s4;
	s16 =	sadd.s32 $0x800, s7;
	[sflag:s9] =	ssyncadd.s32 $0xFFFFF000  }
0x22: {  	[hbm4b:s15+s2] =	stream.linear.scatter [tilespmem:s13], [sflag:$0x1], $0x800, $0x38;
	[tilespmem:$0xF800] =	vst v63  }
0x23: {  	s17 =	sadd.s32 $0x1000, s8;
	s18 =	smov.u32 s5;
	_ =	swait.ge [sflag:s9], $0x800  }
0x24: {  	s19 =	smov.u32 s6;
	s15 =	simm.s32 $0x100;
	[sflag:s9] =	ssyncset.done $0x0  }
.LBB2_2:
0x25: {  	[sflag:s9] =	ssyncadd.s32 $0xFFFFF800  }
0x26: {  	s18 =	sadd.s32 $0x200, s18;
	s19 =	sadd.s32 $0x400, s19;
	s20 =	smov.u32 s15  }
0x27: {  	[tilespmem:s2], [sflag:$0x1] =	stream.linear.gather [hbm4b:s17+s2], $0x8000, $0x38;
	[tilespmem:$0xF800] =	vst v63  }
0x28: {  	p0 =	sne.s32 s15, $0x1F00;
	s15 =	sadd.s32 $0x100, s15;
	_ =	swait.ge [sflag:s9], $0x8000  }
0x29: {  	[sflag:s9] =	ssyncset.done $0x0  }
0x2a: {  	[sflag:s9] =	ssyncadd.s32 $0xFFFF8000  }
0x2b: {  	[hbm4b:s16+s2] =	stream.linear.scatter [tilespmem:s10], [sflag:$0x1], $0x4000, $0x38;
	[tilespmem:$0xF800] =	vst v63  }
0x2c: {  	_ =	swait.ge [sflag:s9], $0x4000  }
0x2d: {  	[sflag:s9] =	ssyncset.done $0x0  }
0x2e: {  	[sflag:s9] =	ssyncadd.s32 $0xFFFFC000  }
0x2f: {  	[hbm4b:s19+s2] =	stream.linear.scatter [tilespmem:s11], [sflag:$0x1], $0x2000, $0x38;
	[tilespmem:$0xF800] =	vst v63  }
0x30: {  	_ =	swait.ge [sflag:s9], $0x2000  }
0x31: {  	[sflag:s9] =	ssyncset.done $0x0  }
0x32: {  	[sflag:s9] =	ssyncadd.s32 $0xFFFFE000  }
0x33: {  	[hbm4b:s18+s2] =	stream.linear.scatter [tilespmem:s12], [sflag:$0x1], $0x1000, $0x38;
	[tilespmem:$0xF800] =	vst v63  }
0x34: {  	_ =	swait.ge [sflag:s9], $0x1000  }
.Ltmp0:
0x35: {  	[sflag:s9] =	ssyncset.done $0x0;
	(pc) =	sbr.rel @p0 .LBB2_2-.Ltmp0, $4  }
0x36: {  	s20 =	sadd.s32 s20, s4;
	[sflag:s9] =	ssyncadd.s32 $0xFFFFF000  }
0x37: {  	[hbm4b:s20+s2] =	stream.linear.scatter [tilespmem:s13], [sflag:$0x1], $0x800, $0x38;
	[tilespmem:$0xF800] =	vst v63  }
0x38: {  	_ =	swait.ge [sflag:s9], $0x800  }
0x39: {  	s17 =	sadd.s32 $0x1000, s17;
	s16 =	sadd.s32 $0x800, s16;
	[sflag:s9] =	ssyncset.done $0x0  }
0x3a: {  	s14 =	sadd.s32 $0x1, s14  }
0x3b: {  	p0 =	sne.s32 s14, s3  }
.Ltmp1:
0x3c: {  	_ = 	snop;
	(pc) =	sbr.rel @p0 .LBB2_1-.Ltmp1, $2  }
0x3d: {  	_ =	sdelay $0x2  }
0x3e: {  	[sflag:s9] =	ssyncadd.s32 $0xFFFFF800  }
0x3f: {  	_ =	sfence.sel $0x180000  }
0x40: {  	[bflag:$0x0] =	sbarrier.arrive $0xFFFF  }
0x41: {  	p0 =	sne.s32 s1, $0x0;
	_ =	strace $0x9000004A  }
0x42: {  	s0 =	sadd.s32 @!p0 $0x100000, s0;
	[bflag:$0x2] =	sbarrier.arrive $0xFFFF  }
0x43: {  	[sflag:s0] =	ssyncadd.tile.s32 @!p0 $0x1;
	_ =	shalt  }
.Lfunc_end2:
_tile_overlayer_lowered:
.L_overlay_start_2:
0x44: {  	(tag) =	ssettag $0x2  }
0x45: {  	s0 =	rddreg [dreg:$0x0];
	s2 =	stileid.u32  }
0x46: {  	s1 =	rddreg [dreg:$0x1];
	p0 =	sne.s32 s2, $0x0  }
0x47: {  	s3 =	rddreg [dreg:$0x2];
	[bflag:$0x3] =	sbarrier.arrive $0xFFFF;
	s2 =	simm.s32 @!p0 $0x1C01  }
0x48: {  	[timem:s3], [sflag:s2] =	dma.local @!p0 [hbm:s0], s1  }
0x49: {  	s0 =	simm.s32 @!p0 $0x1  }
0x4a: {  	_ =	swait.ge @!p0 [sflag:s0], s1  }
0x4b: {  	s1 =	ssub.s32 @!p0 $0x0, s1;
	[sflag:s0] =	ssyncset.done @!p0 $0x0  }
0x4c: {  	[sflag:s0] =	ssyncadd.s32 @!p0 s1  }
0x4d: {  	[bflag:$0x3] =	sbarrier.arrive $0xFFFF  }
0x4e: {  	_ =	shalt  }

// kernel: sparse-core-data-format-call.cloned.1.call-start
scs
called_computation_lowered:
.L_overlay_start_0:
0x0: {  	s2 =	sld [smem:$0x3FD9]  }
0x1: {  	s3 =	sld [smem:$0x3FFE];
	_ =	sdelay $0x1  }
0x2: {  	s1 =	srdreg.scid  }
0x3: {  	s0 =	sand.u32 $0x1, s1  }
0x4: {  	s16 =	sshll.u32 s0, $0xA;
	s2 =	sadd.s32 s3, s2  }
0x5: {  	s2 =	sadd.s32 s2, s16  }
0x6: {  	[smem:$0x3FC7] =	sst s2  }
0x7: {  	_ = 	snop  }
0x8: {  	s2 =	sld [smem:$0x3FD0];
	_ =	sdelay $0x2  }
0x9: {  	s4 =	simm.s32 $0xA;
	s5 =	simm.s32 $0x10;
	s17 =	sld [smem:$0x3FC9]  }
0xa: {  	[smem:s5], [sflag:s4] =	dma.local [hbm:s2], $0x1  }
0xb: {  	_ =	swait.eq [sflag:s4], $0x1  }
0xc: {  	[sflag:s4] =	ssyncset.done $0x0  }
0xd: {  	[sflag:s4] =	ssyncadd.s32 $0xFFFFFFFF  }
0xe: {  	s18 =	sld [smem:$0x10];
	(tm) =	ssettm $0x1  }
0xf: {  	s19 =	sld [smem:$0x3FFB];
	_ =	sdelay $0x3  }
0x10: {  	_ =	strace s19  }
0x11: {  	s4 =	sld [smem:$0x3FFC];
	_ =	sdelay $0x3  }
0x12: {  	_ =	strace s4  }
0x13: {  	s4 =	sld [smem:$0x3FFD];
	_ =	sdelay $0x3  }
0x14: {  	_ =	strace s4  }
0x15: {  	_ =	strace $0x8FFFFFFF  }
0x16: {  	s20 =	sld [smem:$0x3FDB];
	_ =	sdelay $0x1  }
0x17: {  	s21 =	simm.s32 $_scs_section_size  }
0x18: {  	s6 =	simm.s32 $_size__tile_overlayer_lowered;
	s7 =	simm.s32 $_tile_overlayer_lowered  }
0x19: {  	s24 =	simm.s32 $0x1BFF;
	s23 =	sshll.u32 s7, $0x1;
	s4 =	sadd.s32 s21, s20  }
0x1a: {  	s8 =	simm.s32 $0x0;
	s22 =	sshll.u32 s6, $0x1;
	s6 =	sadd.s32 s23, s4  }
0x1b: {  	[timem:s8], [sflag:s24] =	dma.local [hbm:s6], s22  }
0x1c: {  	_ =	swait.ge [sflag:s24], s22  }
0x1d: {  	s5 =	ssub.s32 $0x0, s22;
	[sflag:s24] =	ssyncset.done $0x0  }
0x1e: {  	[sflag:s24] =	ssyncadd.s32 s5;
	_ =	sdelay $0x1  }
0x1f: {  	s25 =	simm.s32 $0x1B8B  }
0x20: {  	_ =	swait.ge [sflag:s25], $0x1  }
0x21: {  	[sflag:s25] =	ssyncset.done $0x0  }
0x22: {  	s26 =	simm.s32 $0x1B8E;
	[sflag:s25] =	ssyncadd.s32 $0xFFFFFFFF  }
0x23: {  	s27 =	simm.s32 $execute0_lowered;
	[smem:$0x3FD2] =	sst s26  }
0x24: {  	s5 =	sshll.u32 s27, $0x1;
	_ =	strace $0x80000046;
	[dreg:$0x1] =	wrdreg $0xFFFFFFFF  }
0x25: {  	s28 =	simm.s32 $_size_execute0_lowered;
	s4 =	sadd.s32 s4, s5;
	[dreg:$0x0] =	wrdreg $0x0  }
0x26: {  	s5 =	sshll.u32 s28, $0x1;
	[dreg:$0x2] =	wrdreg s4  }
0x27: {  	[dreg:$0x3] =	wrdreg s5  }
0x28: {  	[dreg:$0x4] =	wrdreg $0xC0  }
0x29: {  	_ =	task [dreg:s8], $0x5FFFF  }
0x2a: {  	[dreg:$0x1] =	wrdreg $0xFFFFFFFF  }
0x2b: {  	[dreg:$0x0] =	wrdreg $0x60  }
0x2c: {  	[dreg:$0x2] =	wrdreg s17  }
0x2d: {  	[dreg:$0x3] =	wrdreg s18  }
0x2e: {  	[dreg:$0x4] =	wrdreg $0x9  }
0x2f: {  	_ =	task.clear_ibuf [dreg:s8], $0x5FFFF;
	_ =	strace $0x90000046  }
0x30: {  	s29 =	simm.s32 $0x9;
	_ =	strace $0x80000048  }
0x31: {  	_ =	swait.ge [sflag:s29], $0x1  }
0x32: {  	[sflag:s29] =	ssyncadd.s32 $0xFFFFFFFF  }
0x33: {  	_ =	strace $0x90000048  }
0x34: {  	_ =	sfence  }
0x35: {  	s30 =	sld [smem:$0x0];
	_ =	sdelay $0x2  }
0x36: {  	s31 =	sshll.u32 s1, $0xD;
	s1 =	sshrl.u32 s1, $0x2  }
0x37: {  	s3 =	sand.u32 $0x4000, s31;
	s1 =	sadd.s32 s1, s30  }
0x38: {  	s0 =	sor.u32 s3, s0;
	s1 =	sshll.u32 s1, $0x11  }
0x39: {  	s0 =	sor.u32 s1, s0  }
0x3a: {  	s0 =	sadd.s32 $0x8F2B, s0  }
0x3b: {  	[sflag:s0] =	ssyncadd.remote.s32 $0x1  }
0x3c: {  	_ =	sfence.sel $0xFFFF  }
0x3d: {  	[dreg:$0x0] =	wrdreg $0xFFFFFFFF;
	(pc) =	sbr.abs _section_cstart, $3  }
0x3e: {  	[dreg:$0x1] =	wrdreg $0xFFFFFFFF  }
0x3f: {  	_ =	task.clear_ibuf [dreg:s8], $0x2FFFF;
	_ =	strace $0x9FFFFFFF  }
0x40: {  	(tm) =	ssettm $0x7FFFFFFF  }
0x41: {  	_ =	shalt  }
tec
execute0_lowered:
.L_overlay_start_1:
0x0: {  	(tag) =	ssettag $0x1  }
0x1: {  	s2 =	rddreg [dreg:$0x0]  }
0x2: {  	s3 =	rddreg [dreg:$0x1]  }
0x3: {  	s0 =	rddreg [dreg:$0x2];
	_ =	strace $0x80000047  }
0x4: {  	s4 =	srdreg.scid;
	s1 =	stileid.u32;
	s6 =	simm.s32 $0x2  }
.Ltmp0:
0x5: {  	s11 =	simm.s32 $0x0;
	p0 =	por $0x0, $0x0;
	(pc) =	sbr.rel .LBB1_1-.Ltmp0, $4  }
0x6: {  	s7 =	simm.s32 $0x1000;
	s12 =	simm.s32 $0x0;
	s5 =	sshll.u32 s4, $0x4  }
0x7: {  	s9 =	simm.s32 $0x0;
	s4 =	simm.s32 $0x1;
	s5 =	sand.u32 $0x10, s5  }
0x8: {  	s8 =	simm.s32 $0x0;
	[sflag:s4] =	ssyncpa.u1 $0x0;
	s5 =	sor.u32 s1, s5  }
0x9: {  	[sflag:s6] =	ssyncpa.u1 $0x0;
	s6 =	simm.s32 $0x800;
	s10 =	smov.u32 s5  }
.LBB1_7:
0xa: {  	s13 =	sadd.s32 $0x10, s9  }
0xb: {  	s11 =	sadd.s32 $0x20, s10;
	s15 =	smov.u32 s10;
	p2 =	sgt.s32 s13, $0x1F  }
0xc: {  	p1 =	slt.u32 s8, $0x2;
	s15 =	smov.u32 @p2 s11  }
0xd: {  	s8 =	sadd.s32 $0x1, s8;
	s13 =	simm.s32 @p2 $0x0;
	p2 =	sgt.s32 s15, $0x3FF  }
0xe: {  	s15 =	smov.u32 @p2 s5;
	p2 =	sne.s32 s8, $0x42  }
.Ltmp1:
0xf: {  	_ = 	snop;
	(pc) =	sbr.rel @!p2 .LBB1_8-.Ltmp1, $4  }
0x10: {  	s14 =	simm.s32 @!p1 $0x2  }
0x11: {  	s12 =	smov.u32 s10;
	_ =	swait.ge @!p1 [sflag:s14], $0x4000  }
0x12: {  	p0 =	por !p0, !p0;
	s11 =	smov.u32 s9;
	[sflag:s14] =	ssyncset.done @!p1 $0x0  }
0x13: {  	s9 =	smov.u32 s13;
	[sflag:s14] =	ssyncadd.s32 @!p1 $0xFFFFC000;
	s10 =	smov.u32 s15  }
.LBB1_1:
0x14: {  	p1 =	sgt.u32 s8, $0x3F  }
0x15: {  	s13 =	sxor.u32 @!p1 $0xFFFFFFFF, s8;
	s14 =	sshll.u32 @!p1 s10, $0xC  }
0x16: {  	s15 =	sshll.u32 @!p1 s9, $0x7;
	s13 =	sshll.u32 @!p1 s13, $0xE;
	s14 =	sadd.s32 @!p1 s2, s14  }
0x17: {  	s13 =	sand.u32 @!p1 $0x4000, s13;
	s14 =	sadd.s32 @!p1 s15, s14;
	s15 =	simm.s32 @!p1 $0x0  }
0x18: {  	[tilespmem:s13], [sflag:$0x1] =	stream.linear.gather @!p1 [hbm4b:s14+s15], $0x4000, $0x38;
	[tilespmem:$0x10000] =	vst v63  }
0x19: {  	p1 =	seq.s32 s8, $0x0  }
0x1a: {  	p2 =	seq.s32 @!p1 s8, $0x41  }
0x1b: {  	p1 =	por p1, p2  }
.Ltmp2:
0x1c: {  	_ = 	snop;
	(pc) =	sbr.rel @p1 .LBB1_7-.Ltmp2, $1  }
0x1d: {  	_ =	sdelay $0x3  }
0x1e: {  	s13 =	simm.s32 $0x1;
	_ =	swait.ge [sflag:s4], $0x4000;
	s16 =	sshll.u32 s8, $0xE  }
0x1f: {  	s13 =	simm.s32 @!p0 $0x0;
	[sflag:s4] =	ssyncset.done $0x0;
	s31 =	sand.u32 $0x4000, s16  }
0x20: {  	s16 =	simm.s32 $0x0;
	s14 =	sshll.u32 s13, $0xE;
	[sflag:s4] =	ssyncadd.s32 $0xFFFFC000  }
0x21: {  	s13 =	sor.u32 $0x8040, s14;
	s15 =	sor.u32 $0x40, s14;
	s14 =	sor.u32 $0x8000, s31  }
.LBB1_3:
0x22: {  	v0 =	vmov s15;
	_ =	sdelay $0x3  }
0x23: {  	s18 =	simm.s32 $0x0  }
0x24: {  	v6 =	vld.idx.msk [tilespmem:v0+s18+$0x30 ss:$0x1], $0xffff  }
0x25: {  	v7 =	vld.idx.msk [tilespmem:v0+s18+$0xFFFFFFC0 ss:$0x1], $0xffff  }
0x26: {  	v5 =	vld.idx.msk [tilespmem:v0+s18+$0xFFFFFFD0 ss:$0x1], $0xffff  }
0x27: {  	v4 =	vld.idx.msk [tilespmem:v0+s18+$0xFFFFFFE0 ss:$0x1], $0xffff  }
0x28: {  	v3 =	vld.idx.msk [tilespmem:v0+s18+$0xFFFFFFF0 ss:$0x1], $0xffff  }
0x29: {  	v1 =	vld.idx.msk [tilespmem:v0+s18+$0x0 ss:$0x1], $0xffff  }
0x2a: {  	v2 =	vld.idx.msk [tilespmem:v0+s18+$0x10 ss:$0x1], $0xffff;
	[tilespmem:s13+$0x30] =	vst v6  }
0x2b: {  	s17 =	simm.s32 $0x80;
	s19 =	simm.s32 $0x400;
	[tilespmem:s13+$0xFFFFFFC0] =	vst v7;
	v6 =	vld.idx.msk [tilespmem:v0+s18+$0x20 ss:$0x1], $0xffff;
	s18 =	smov.u32 s13  }
.LBB1_4:
0x2c: {  	p1 =	sne.s32 s19, $0xE00;
	v7 =	vld.idx.msk [tilespmem:v0+s17+$0x30 ss:$0x1], $0xffff;
	[tilespmem:s18+$0xFFFFFFD0] =	vst v5  }
0x2d: {  	v8 =	vld.idx.msk [tilespmem:v0+s17+$0xFFFFFFC0 ss:$0x1], $0xffff;
	[tilespmem:s18+$0xFFFFFFE0] =	vst v4  }
0x2e: {  	v5 =	vld.idx.msk [tilespmem:v0+s17+$0xFFFFFFD0 ss:$0x1], $0xffff;
	[tilespmem:s18+$0xFFFFFFF0] =	vst v3  }
.Ltmp3:
0x2f: {  	v4 =	vld.idx.msk [tilespmem:v0+s17+$0xFFFFFFE0 ss:$0x1], $0xffff;
	[tilespmem:s18+$0x0] =	vst v1;
	(pc) =	sbr.rel @p1 .LBB1_4-.Ltmp3, $4  }
0x30: {  	v3 =	vld.idx.msk [tilespmem:v0+s17+$0xFFFFFFF0 ss:$0x1], $0xffff;
	[tilespmem:s18+$0x10] =	vst v2  }
0x31: {  	v1 =	vld.idx.msk [tilespmem:v0+s17+$0x0 ss:$0x1], $0xffff;
	[tilespmem:s18+$0x20] =	vst v6;
	s18 =	sadd.s32 $0x800, s18  }
0x32: {  	v2 =	vld.idx.msk [tilespmem:v0+s17+$0x10 ss:$0x1], $0xffff;
	[tilespmem:s18+$0x30] =	vst v7  }
0x33: {  	[tilespmem:s18+$0xFFFFFFC0] =	vst v8;
	v6 =	vld.idx.msk [tilespmem:v0+s17+$0x20 ss:$0x1], $0xffff;
	s17 =	sshra.s32 s19, $0x2;
	s19 =	sadd.s32 $0x200, s19  }
0x34: {  	_ =	sdelay $0x2  }
0x35: {  	[tilespmem:s18+$0xFFFFFFD0] =	vst v5  }
0x36: {  	v56 =	vld.idx.msk [tilespmem:v0+s17+$0x30 ss:$0x1], $0xffff;
	[tilespmem:s18+$0xFFFFFFE0] =	vst v4  }
0x37: {  	v57 =	vld.idx.msk [tilespmem:v0+s17+$0xFFFFFFC0 ss:$0x1], $0xffff;
	[tilespmem:s18+$0xFFFFFFF0] =	vst v3  }
0x38: {  	v58 =	vld.idx.msk [tilespmem:v0+s17+$0xFFFFFFD0 ss:$0x1], $0xffff;
	[tilespmem:s18+$0x0] =	vst v1  }
0x39: {  	v59 =	vld.idx.msk [tilespmem:v0+s17+$0xFFFFFFE0 ss:$0x1], $0xffff;
	[tilespmem:s18+$0x10] =	vst v2  }
0x3a: {  	v60 =	vld.idx.msk [tilespmem:v0+s17+$0xFFFFFFF0 ss:$0x1], $0xffff;
	s31 =	sadd.s32 $0x800, s18;
	[tilespmem:s18+$0x20] =	vst v6  }
0x3b: {  	v61 =	vld.idx.msk [tilespmem:v0+s17+$0x0 ss:$0x1], $0xffff;
	[tilespmem:s31+$0x30] =	vst v56  }
0x3c: {  	v62 =	vld.idx.msk [tilespmem:v0+s17+$0x10 ss:$0x1], $0xffff;
	s16 =	sadd.s32 $0x1, s16;
	[tilespmem:s31+$0xFFFFFFC0] =	vst v57  }
0x3d: {  	v63 =	vld.idx.msk [tilespmem:v0+s17+$0x20 ss:$0x1], $0xffff;
	p1 =	sne.s32 s16, $0x10;
	[tilespmem:s31+$0xFFFFFFD0] =	vst v58  }
.Ltmp4:
0x3e: {  	[tilespmem:s31+$0xFFFFFFE0] =	vst v59;
	(pc) =	sbr.rel @p1 .LBB1_3-.Ltmp4, $4  }
0x3f: {  	[tilespmem:s31+$0xFFFFFFF0] =	vst v60  }
0x40: {  	[tilespmem:s31+$0x0] =	vst v61  }
0x41: {  	[tilespmem:s31+$0x10] =	vst v62  }
0x42: {  	s13 =	sadd.s32 $0x80, s13;
	s15 =	sadd.s32 $0x400, s15;
	[tilespmem:s31+$0x20] =	vst v63  }
.Ltmp5:
0x43: {  	(pc) =	sbr.rel .LBB1_7-.Ltmp5, $4  }
0x44: {  	s12 =	sshll.u32 s12, $0xC;
	s11 =	sshll.u32 s11, $0x4  }
0x45: {  	s11 =	sand.u32 $0x1F0, s11;
	s12 =	sadd.s32 s3, s12  }
0x46: {  	s11 =	sadd.s32 s11, s12  }
0x47: {  	[hbm4b:s11+s6] =	stream.strided.scatter [tilespmem:s14], [sflag:$0x2], $0x4000, s7, s6, $0x38;
	[tilespmem:$0x10000] =	vst v63  }
.LBB1_8:
0x48: {  	_ =	sfence.sel $0x180000  }
0x49: {  	s2 =	simm.s32 $0x1;
	[bflag:$0x0] =	sbarrier.arrive $0xFFFF  }
0x4a: {  	s31 =	simm.s32 $0x2;
	[sflag:s2] =	ssyncpa.u1 $0x1  }
0x4b: {  	[sflag:s31] =	ssyncpa.u1 $0x1  }
0x4c: {  	p0 =	sne.s32 s1, $0x0;
	_ =	strace $0x90000047  }
0x4d: {  	s0 =	sadd.s32 @!p0 $0x100000, s0;
	[bflag:$0x2] =	sbarrier.arrive $0xFFFF  }
0x4e: {  	[sflag:s0] =	ssyncadd.tile.s32 @!p0 $0x1;
	_ =	shalt  }
.Lfunc_end1:
_tile_overlayer_lowered:
.L_overlay_start_2:
0x4f: {  	(tag) =	ssettag $0x2  }
0x50: {  	s0 =	rddreg [dreg:$0x0];
	s2 =	stileid.u32  }
0x51: {  	s1 =	rddreg [dreg:$0x1];
	p0 =	sne.s32 s2, $0x0  }
0x52: {  	s3 =	rddreg [dreg:$0x2];
	[bflag:$0x3] =	sbarrier.arrive $0xFFFF;
	s2 =	simm.s32 @!p0 $0x1C01  }
0x53: {  	[timem:s3], [sflag:s2] =	dma.local @!p0 [hbm:s0], s1  }
0x54: {  	s0 =	simm.s32 @!p0 $0x1  }
0x55: {  	_ =	swait.ge @!p0 [sflag:s0], s1  }
0x56: {  	s1 =	ssub.s32 @!p0 $0x0, s1;
	[sflag:s0] =	ssyncset.done @!p0 $0x0  }
0x57: {  	[sflag:s0] =	ssyncadd.s32 @!p0 s1  }
0x58: {  	[bflag:$0x3] =	sbarrier.arrive $0xFFFF  }
0x59: {  	_ =	shalt  }

</sc_bundles>
